<compile_context>
chip_gen: v7x
topology: tpu7x:2x2x1
jax: 0.10.2.dev20260603
libtpu: 0.0.44.dev20260713+nightly
codegen_flags: <defaults>
</compile_context>

<pallas_src>
import functools

import jax
import jax.numpy as jnp
import numpy as np
from jax import lax
from jax.experimental import pallas as pl
from jax.experimental.pallas import tpu as pltpu
from jax.experimental.pallas import tpu_sc as plsc

NC, NS = 2, 16
NW = NC * NS
B = 128


@functools.partial(jax.jit, static_argnums=(2,))
def _sc_degree(dstf, zeros1d, EW):
    NP = zeros1d.shape[0]
    mesh = plsc.VectorSubcoreMesh(core_axis_name="c", subcore_axis_name="s")

    @functools.partial(
        pl.kernel,
        out_type=jax.ShapeDtypeStruct((NW * NP,), jnp.float32),
        mesh=mesh,
        scratch_types=[
            pltpu.VMEM((EW,), jnp.int32),
            pltpu.VMEM((NP,), jnp.float32),
        ],
        compiler_params=pltpu.CompilerParams(needs_layout_passes=False),
    )
    def k(dst_hbm, zeros_hbm, degp_hbm, dst_v, hist):
        c = lax.axis_index("c")
        s = lax.axis_index("s")
        wid = s * NC + c
        pltpu.sync_copy(zeros_hbm, hist)
        pltpu.sync_copy(dst_hbm.at[pl.ds(wid * EW, EW)], dst_v)
        ones16 = jnp.full((16,), 1.0, jnp.float32)

        def body(t, carry):
            v = dst_v[pl.ds(t * 16, 16)]
            plsc.addupdate_scatter(hist, [v], ones16)
            return carry

        lax.fori_loop(jnp.int32(0), jnp.int32(EW // 16), body, jnp.int32(0))
        pltpu.sync_copy(hist, degp_hbm.at[pl.ds(wid * NP, NP)])

    return k(dstf, zeros1d)


@functools.partial(jax.jit, static_argnums=(3,))
def _sc_scatter(h2, srcp, dstp, NB):
    NP, D = h2.shape
    BE = srcp.shape[2]
    rps = NP // NS
    mesh = plsc.VectorSubcoreMesh(core_axis_name="c", subcore_axis_name="s")

    @functools.partial(
        pl.kernel,
        out_type=jax.ShapeDtypeStruct((NC, NP, D), jnp.float32),
        mesh=mesh,
        scratch_types=[
            pltpu.VMEM((NB // 2, BE), jnp.int32),
            pltpu.VMEM((NB // 2, BE), jnp.int32),
            pltpu.VMEM((BE, D), jnp.float32),
            pltpu.VMEM((BE, D), jnp.float32),
            pltpu.VMEM_SHARED((NP, D), jnp.float32),
            pltpu.SemaphoreType.DMA,
            pltpu.SemaphoreType.DMA,
        ],
    )
    def k(h2_hbm, src_hbm, dst_hbm, outp_hbm, src_v, dst_v, buf0, buf1,
          acc, sg0, sg1):
        c = lax.axis_index("c")
        s = lax.axis_index("s")
        wid = s * NC + c
        r0 = s * rps
        pltpu.sync_copy(h2_hbm.at[pl.ds(r0, rps)], acc.at[pl.ds(r0, rps)])

        def g_start(j, buf, sem):
            pltpu.async_copy(h2_hbm.at[src_v.at[j]], buf, sem)

        def g_wait(j, buf, sem):
            pltpu.make_async_copy(h2_hbm.at[src_v.at[j]], buf, sem).wait()

        PR = NB // 2
        for ph in range(2):
            pltpu.sync_copy(src_hbm.at[wid, pl.ds(ph * PR, PR)], src_v)
            pltpu.sync_copy(dst_hbm.at[wid, pl.ds(ph * PR, PR)], dst_v)
            if ph == 0:
                plsc.subcore_barrier()
            T = PR // 2
            g_start(jnp.int32(0), buf0, sg0)

            def body(t, carry):
                jj0 = 2 * t
                jj1 = jj0 + 1
                g_start(jj1, buf1, sg1)
                g_wait(jj0, buf0, sg0)
                pltpu.sync_copy(buf0, acc.at[dst_v.at[jj0]], add=True)

                @pl.when(t < T - 1)
                def _pre():
                    g_start(jj0 + 2, buf0, sg0)

                g_wait(jj1, buf1, sg1)
                pltpu.sync_copy(buf1, acc.at[dst_v.at[jj1]], add=True)
                return carry

            lax.fori_loop(jnp.int32(0), jnp.int32(T), body, jnp.int32(0))

        plsc.subcore_barrier()
        pltpu.sync_copy(acc.at[pl.ds(r0, rps)], outp_hbm.at[c, pl.ds(r0, rps)])

    return k(h2, srcp, dstp)


def _tc_h2(xp, W, degp3):
    NP, Din = xp.shape
    Dout = W.shape[1]
    BN = 1024
    NRB = BN // B
    z = np.int32(0)

    def kern(x_ref, w_ref, d_ref, h2_ref, dis_ref):
        d = jnp.sum(d_ref[...], axis=0) + 1.0
        dis = lax.rsqrt(d)
        h = jnp.dot(x_ref[...], w_ref[...], preferred_element_type=jnp.float32)
        eye = (lax.broadcasted_iota(jnp.int32, (B, B), 0)
               == lax.broadcasted_iota(jnp.int32, (B, B), 1)).astype(jnp.float32)
        for q in range(NRB):
            col = lax.dot_general(
                eye, dis[q:q + 1, :], (((1,), (1,)), ((), ())),
                preferred_element_type=jnp.float32)
            h2_ref[q * B:(q + 1) * B, :] = h[q * B:(q + 1) * B, :] * col
            dis_ref[q * B:(q + 1) * B, :] = col

    return pl.pallas_call(
        kern,
        grid=(NP // BN,),
        in_specs=[
            pl.BlockSpec((BN, Din), lambda i: (i, z)),
            pl.BlockSpec((Din, Dout), lambda i: (z, z)),
            pl.BlockSpec((NW, NRB, B), lambda i: (z, i, z)),
        ],
        out_specs=[
            pl.BlockSpec((BN, Dout), lambda i: (i, z)),
            pl.BlockSpec((BN, 1), lambda i: (i, z)),
        ],
        out_shape=[
            jax.ShapeDtypeStruct((NP, Dout), jnp.float32),
            jax.ShapeDtypeStruct((NP, 1), jnp.float32),
        ],
    )(xp, W, degp3)


def _tc_combine(p, h2, dis, b, N):
    D = h2.shape[1]
    BN = 1000
    z = np.int32(0)

    def kern(p_ref, h2_ref, dis_ref, b_ref, o_ref):
        agg = p_ref[0] + p_ref[1] - h2_ref[...]
        o_ref[...] = jnp.maximum(agg * dis_ref[...] + b_ref[...], 0.0)

    return pl.pallas_call(
        kern,
        grid=(N // BN,),
        in_specs=[
            pl.BlockSpec((NC, BN, D), lambda i: (z, i, z)),
            pl.BlockSpec((BN, D), lambda i: (i, z)),
            pl.BlockSpec((BN, 1), lambda i: (i, z)),
            pl.BlockSpec((1, D), lambda i: (z, z)),
        ],
        out_specs=pl.BlockSpec((BN, D), lambda i: (i, z)),
        out_shape=jax.ShapeDtypeStruct((N, D), jnp.float32),
    )(p, h2, dis, b.reshape(1, D))


def kernel(x, edge_index, W, b):
    N, Din = x.shape
    E = edge_index.shape[1]
    x = x.astype(jnp.float32)
    W = W.astype(jnp.float32)
    b = b.astype(jnp.float32)

    src = edge_index[0].astype(jnp.int32)
    dst = edge_index[1].astype(jnp.int32)

    EW = E // NW
    BE = 125
    NB = EW // BE
    NP = (-(-N // (NS * 8)) + 1) * (NS * 8)

    srcp = src.reshape(NW, NB, BE)
    dstp = dst.reshape(NW, NB, BE)

    xp = jnp.concatenate([x, jnp.zeros((NP - N, Din), jnp.float32)], axis=0)
    zeros1d = jnp.zeros((NP,), jnp.float32)

    degp3 = _sc_degree(dst, zeros1d, EW).reshape(NW, NP // B, B)
    h2, dis = _tc_h2(xp, W, degp3)
    outp = _sc_scatter(h2, srcp, dstp, NB)
    return _tc_combine(outp, h2, dis, b, N).astype(jnp.float64)

# --- scband reference (transcript-rebuilt; emitter-appended) ---
"""Pipeline reference for scband-crd-30459908063689 (READ-ONLY COPY).

The authoritative reference and input builder live on the scoring server;
editing this copy changes nothing except your own understanding.
"""

import jax
jax.config.update("jax_enable_x64", True)
import jax.numpy as jnp
import numpy as np

N, E, D_IN, D_OUT = 10000, 320000, 128, 128


def setup_inputs(seed: int = 0) -> dict:
    key = jax.random.key(seed)
    k1, k2, k3 = jax.random.split(key, 3)
    x = jax.random.normal(k1, (N, D_IN), dtype=jnp.float32)
    edge_index = jax.random.randint(k2, (2, E), 0, N, dtype=jnp.int64)
    # GCNConv learned parameters (glorot-ish weight, zero bias)
    W = jax.random.normal(k3, (D_IN, D_OUT), dtype=jnp.float32) * (1.0 / np.sqrt(D_IN))
    b = jnp.zeros((D_OUT,), dtype=jnp.float32)
    return {"x": x, "edge_index": edge_index, "W": W, "b": b}


def reference(x, edge_index, W, b):
    # CRD.forward: x = relu(GCNConv(x, edge_index)); dropout is identity in eval mode.
    n = x.shape[0]
    src = edge_index[0]
    dst = edge_index[1]
    # add self-loops
    loop = jnp.arange(n, dtype=edge_index.dtype)
    src = jnp.concatenate([src, loop])
    dst = jnp.concatenate([dst, loop])
    # symmetric normalization D^{-1/2} (A+I) D^{-1/2}, degree counted on dst
    deg = jnp.zeros((n,), dtype=jnp.float32).at[dst].add(1.0)
    deg_inv_sqrt = jnp.where(deg > 0, deg ** -0.5, 0.0)
    norm = deg_inv_sqrt[src] * deg_inv_sqrt[dst]
    # linear transform then propagate (gather -> scale -> scatter-add)
    h = x @ W
    msg = h[src] * norm[:, None]
    agg = jax.ops.segment_sum(msg, dst, num_segments=n)
    out = jax.nn.relu(agg + b)
    return out

if __name__ == "__main__":
    import jax
    _d = setup_inputs()
    print(jax.jit(kernel)(*tuple(_d.values())))

</pallas_src>

<mosaic_0001>
#map = affine_map<(d0, d1) -> (0)>
module attributes {stable_mosaic.version = 14 : i64} {
  func.func @k(%arg0: i32, %arg1: i32, %arg2: memref<320000xi32, #tpu.memory_space<hbm>>, %arg3: memref<10240xf32, #tpu.memory_space<hbm>>, %arg4: memref<327680xf32, #tpu.memory_space<hbm>>, %arg5: memref<10000xi32, #tpu.memory_space<vmem>>, %arg6: memref<10240xf32, #tpu.memory_space<vmem>>) attributes {dimension_semantics = [#tpu.dimension_semantics<core_parallel>, #tpu.dimension_semantics<subcore_parallel>], iteration_bounds = array<i64: 2, 16>, scalar_prefetch = 0 : i64, scratch_operands = 2 : i64, tpu.core_type = #tpu.core_type<sc_vector_subcore>, window_params = [{transform_indices = #map}, {transform_indices = #map}, {transform_indices = #map}]} {
    %mul3A = arith.constant 2 : i32
    %mul3A_0 = arith.muli %arg1, %mul3A : i32
    %add3A = arith.addi %mul3A_0, %arg0 : i32
    "tpu.region"() ({
      %run_scoped3A = tpu.sem_alloc : memref<!tpu.dma_semaphore, #tpu.memory_space<semaphore_mem>>
      tpu.enqueue_dma source(%arg3 : memref<10240xf32, #tpu.memory_space<hbm>>) target(%arg6 : memref<10240xf32, #tpu.memory_space<vmem>>) target_semaphore(%run_scoped3A : memref<!tpu.dma_semaphore, #tpu.memory_space<semaphore_mem>>)
      tpu.wait_dma2 semaphore(%run_scoped3A : memref<!tpu.dma_semaphore, #tpu.memory_space<semaphore_mem>>) src(%arg3 : memref<10240xf32, #tpu.memory_space<hbm>>) dst(%arg6 : memref<10240xf32, #tpu.memory_space<vmem>>)
      tpu.yield
    }) : () -> ()
    %mul3A_1 = arith.constant 10000 : i32
    %mul3A_2 = arith.muli %add3A, %mul3A_1 : i32
    "tpu.region"() ({
      %run_scoped3A = tpu.sem_alloc : memref<!tpu.dma_semaphore, #tpu.memory_space<semaphore_mem>>
      %dma_start3A = tpu.memref_slice %arg2[%mul3A_2] : memref<320000xi32, #tpu.memory_space<hbm>> -> memref<10000xi32, #tpu.memory_space<hbm>>
      %dma_start3A_16 = tpu.memref_slice %arg2[%mul3A_2] : memref<320000xi32, #tpu.memory_space<hbm>> -> memref<10000xi32, #tpu.memory_space<hbm>>
      tpu.enqueue_dma source(%dma_start3A_16 : memref<10000xi32, #tpu.memory_space<hbm>>) target(%arg5 : memref<10000xi32, #tpu.memory_space<vmem>>) target_semaphore(%run_scoped3A : memref<!tpu.dma_semaphore, #tpu.memory_space<semaphore_mem>>)
      %dma_wait3A = tpu.memref_slice %arg2[%mul3A_2] : memref<320000xi32, #tpu.memory_space<hbm>> -> memref<10000xi32, #tpu.memory_space<hbm>>
      %dma_wait3A_17 = tpu.memref_slice %arg2[%mul3A_2] : memref<320000xi32, #tpu.memory_space<hbm>> -> memref<10000xi32, #tpu.memory_space<hbm>>
      tpu.wait_dma2 semaphore(%run_scoped3A : memref<!tpu.dma_semaphore, #tpu.memory_space<semaphore_mem>>) src(%dma_wait3A_17 : memref<10000xi32, #tpu.memory_space<hbm>>) dst(%arg5 : memref<10000xi32, #tpu.memory_space<vmem>>)
      tpu.yield
    }) : () -> ()
    %broadcast_in_dim3A = arith.constant 1.000000e+00 : f32
    %broadcast_in_dim3A_3 = vector.broadcast %broadcast_in_dim3A : f32 to vector<16xf32>
    %while3A = arith.constant 0 : i32
    %while3A_4 = arith.constant 0 : i32
    %while3A_5 = arith.constant 625 : i32
    %while3A_6 = arith.subi %while3A_5, %while3A_4 : i32
    %while3A_7 = arith.addi %while3A_4, %while3A_6 : i32
    %while3A_8 = arith.constant 1 : i32
    %while3A_9 = arith.divsi %while3A_6, %while3A_8 : i32
    %while3A_10 = arith.muli %while3A_9, %while3A_8 : i32
    %while3A_11 = arith.addi %while3A_4, %while3A_10 : i32
    %while3A_12 = arith.constant 1 : i32
    scf.for %while3A_16 = %while3A_4 to %while3A_11 step %while3A_12  : i32 {
      %mul3A_17 = arith.constant 16 : i32
      %mul3A_18 = arith.muli %while3A_16, %mul3A_17 : i32
      %get3A = arith.index_cast %mul3A_18 : i32 to index
      %get3A_19 = tpu.vector_load %arg5[%get3A] {strides = array<i32>} : memref<10000xi32, #tpu.memory_space<vmem>>, vector<16xi32>,
      tpu.vector_store_idx %arg6[%get3A_19], %broadcast_in_dim3A_3 {add = true} : memref<10240xf32, #tpu.memory_space<vmem>>[vector<16xi32>], vector<16xf32>,
    }
    %while3A_13 = arith.constant 1 : i32
    scf.for %while3A_16 = %while3A_11 to %while3A_7 step %while3A_13  : i32 {
      %mul3A_17 = arith.constant 16 : i32
      %mul3A_18 = arith.muli %while3A_16, %mul3A_17 : i32
      %get3A = arith.index_cast %mul3A_18 : i32 to index
      %get3A_19 = tpu.vector_load %arg5[%get3A] {strides = array<i32>} : memref<10000xi32, #tpu.memory_space<vmem>>, vector<16xi32>,
      tpu.vector_store_idx %arg6[%get3A_19], %broadcast_in_dim3A_3 {add = true} : memref<10240xf32, #tpu.memory_space<vmem>>[vector<16xi32>], vector<16xf32>,
    }
    %mul3A_14 = arith.constant 10240 : i32
    %mul3A_15 = arith.muli %add3A, %mul3A_14 : i32
    "tpu.region"() ({
      %run_scoped3A = tpu.sem_alloc : memref<!tpu.dma_semaphore, #tpu.memory_space<semaphore_mem>>
      %dma_start3A = tpu.memref_slice %arg4[%mul3A_15] : memref<327680xf32, #tpu.memory_space<hbm>> -> memref<10240xf32, #tpu.memory_space<hbm>>
      %dma_start3A_16 = tpu.memref_slice %arg4[%mul3A_15] : memref<327680xf32, #tpu.memory_space<hbm>> -> memref<10240xf32, #tpu.memory_space<hbm>>
      tpu.enqueue_dma source(%arg6 : memref<10240xf32, #tpu.memory_space<vmem>>) target(%dma_start3A_16 : memref<10240xf32, #tpu.memory_space<hbm>>) target_semaphore(%run_scoped3A : memref<!tpu.dma_semaphore, #tpu.memory_space<semaphore_mem>>)
      %dma_wait3A = tpu.memref_slice %arg4[%mul3A_15] : memref<327680xf32, #tpu.memory_space<hbm>> -> memref<10240xf32, #tpu.memory_space<hbm>>
      %dma_wait3A_17 = tpu.memref_slice %arg4[%mul3A_15] : memref<327680xf32, #tpu.memory_space<hbm>> -> memref<10240xf32, #tpu.memory_space<hbm>>
      tpu.wait_dma2 semaphore(%run_scoped3A : memref<!tpu.dma_semaphore, #tpu.memory_space<semaphore_mem>>) src(%arg6 : memref<10240xf32, #tpu.memory_space<vmem>>) dst(%dma_wait3A_17 : memref<10240xf32, #tpu.memory_space<hbm>>)
      tpu.yield
    }) : () -> ()
    return
  }
}

</mosaic_0001>

<sc_bundles>
// kernel: _sc_degree.3.cloned.1.call-start
scs
__scs_entry_jumppad:
0x0: {  	(pc) =	sbr.rel $0x88, $3  }
0x1: {  	(tag) =	ssettag $0x0;
	lr =	simm.s32 $0x1  }
0x2: {  	[smem:$0x3F9F] =	sst lr;
	_ =	strace $0xD0000000  }
0x3: {  	_ = 	snop  }
0x4: {  	_ = 	snop  }
0x5: {  	_ = 	snop  }
0x6: {  	_ = 	snop  }
0x7: {  	_ = 	snop  }
__scs_overlays_trampoline_lowered:
0x8: {  	[smem:$0x3FAE] =	sst s0  }
0x9: {  	[smem:$0x3FAF] =	sst s1  }
0xa: {  	[smem:$0x3FB0] =	sst s2  }
0xb: {  	[smem:$0x3FB1] =	sst s3  }
0xc: {  	[smem:$0x3FB2] =	sst s4  }
0xd: {  	[smem:$0x3FB3] =	sst s5  }
0xe: {  	[smem:$0x3FB4] =	sst s6  }
0xf: {  	[smem:$0x3FB5] =	sst s7  }
0x10: {  	[smem:$0x3FB6] =	sst s8  }
0x11: {  	[smem:$0x3FB7] =	sst s9;
	s0 =	simm.s32 @!p0 $0x0  }
0x12: {  	s1 =	sld [smem:$0x3F9D];
	s0 =	simm.s32 @p0 $0x1  }
0x13: {  	[smem:$0x3FB8] =	sst s0;
	s0 =	simm.s32 @!p1 $0x0  }
0x14: {  	s2 =	sld [smem:$0x3F9C];
	s0 =	simm.s32 @p1 $0x1  }
0x15: {  	[smem:$0x3FB9] =	sst s0;
	s0 =	simm.s32 @!p2 $0x0  }
0x16: {  	s3 =	sld [smem:$0x3FDB];
	s0 =	simm.s32 @p2 $0x1  }
0x17: {  	s4 =	simm.s32 $0x1BF5;
	[smem:$0x3FBB] =	sst s0  }
0x18: {  	s0 =	sld [smem:$0x3F9E];
	_ =	swait.ge [sflag:s4], $0x0  }
0x19: {  	s7 =	sld [smem:$0x3F9F]  }
0x1a: {  	s8 =	sadd.s32 $0xFFFFE003, lr  }
0x1b: {  	s9 =	sadd.s32 $0xFFFFFEF7, lr;
	s5 =	simm.s32 $0xFFFFFFFF;
	p2 =	slt.u32 s8, $0xFFFFF086  }
0x1c: {  	p1 =	slt.u32 s9, $0xF7A;
	s5 =	simm.s32 @!p2 $0x0  }
0x1d: {  	s5 =	simm.s32 @p1 $0x1;
	p0 =	seq.s32 s7, s2  }
0x1e: {  	s7 =	smul.u32 @!p0 $0xF7A, s2;
	p2 =	seq.s32 @!p0 s5, $0x0  }
0x1f: {  	s9 =	smul.u32 $0xF7A, s1;
	s8 =	simm.s32 @!p0 $0x1BF5;
	p2 =	por !p2, p0  }
0x20: {  	[sflag:s8] =	ssyncset.s32 @!p0 $0xFFFFF086;
	s6 =	sadd.s32 @!p0 s3, s7;
	s7 =	simm.s32 @!p0 $0x108  }
0x21: {  	s3 =	sadd.s32 s3, s9;
	s6 =	sadd.s32 @!p0 $0x88, s6;
	s7 =	simm.s32 @p2 $0x1082  }
0x22: {  	[simem:s7], [sflag:s8] =	dma.local @!p0 [hbm:s6], $0xF7A  }
0x23: {  	s9 =	sor.u32 $0xD0000000, s2;
	s6 =	simm.s32 $0x108;
	_ =	swait.ge @!p0 [sflag:s8], $0x0  }
0x24: {  	s3 =	sadd.s32 $0x88, s3;
	s6 =	simm.s32 @!p1 $0x1082;
	[sflag:s4] =	ssyncset.s32 $0xFFFFF086  }
0x25: {  	[simem:s6], [sflag:s4] =	dma.local [hbm:s3], $0xF7A  }
0x26: {  	[smem:$0x3F9F] =	sst s1;
	(tag) =	ssettag s2;
	_ =	strace s9  }
0x27: {  	s1 =	sld [smem:$0x3FAF]  }
0x28: {  	s2 =	sld [smem:$0x3FB0]  }
0x29: {  	s4 =	sld [smem:$0x3FB2]  }
0x2a: {  	p0 =	seq.s32 s5, $0x0;
	s5 =	sld [smem:$0x3FB3]  }
0x2b: {  	s6 =	sld [smem:$0x3FB4]  }
0x2c: {  	s7 =	sld [smem:$0x3FB5]  }
0x2d: {  	s3 =	simm.s32 $0x108;
	s8 =	sld [smem:$0x3FB6]  }
0x2e: {  	s3 =	simm.s32 @!p0 $0x1082;
	s9 =	sld [smem:$0x3FB7]  }
0x2f: {  	lr =	sadd.s32 s0, s3;
	s0 =	sld [smem:$0x3FAE]  }
0x30: {  	s3 =	sld [smem:$0x3FB1]  }
0x31: {  	[smem:$0x3FBA] =	sst s10  }
0x32: {  	s10 =	sld [smem:$0x3FB8];
	_ =	sdelay $0x3  }
0x33: {  	p0 =	seq.s32 s10, $0x1;
	s10 =	sld [smem:$0x3FBA];
	_ =	sdelay $0x3  }
0x34: {  	[smem:$0x3FBA] =	sst s10  }
0x35: {  	s10 =	sld [smem:$0x3FB9];
	_ =	sdelay $0x3  }
0x36: {  	p1 =	seq.s32 s10, $0x1;
	s10 =	sld [smem:$0x3FBA];
	_ =	sdelay $0x3  }
0x37: {  	[smem:$0x3FBA] =	sst s10  }
0x38: {  	s10 =	sld [smem:$0x3FBB]  }
0x39: {  	_ = 	snop;
	(pc) =	sbr.ind lr, $3  }
0x3a: {  	_ = 	snop  }
0x3b: {  	_ = 	snop  }
0x3c: {  	p2 =	seq.s32 s10, $0x1;
	s10 =	sld [smem:$0x3FBA]  }
0x3d: {  	_ =	shalt  }
0x3e: {  	_ =	shalt  }
0x3f: {  	_ =	shalt  }
0x40: {  	_ =	shalt  }
0x41: {  	_ =	shalt  }
0x42: {  	_ =	shalt  }
0x43: {  	_ =	shalt  }
0x44: {  	_ =	shalt  }
0x45: {  	_ =	shalt  }
0x46: {  	_ =	shalt  }
0x47: {  	_ =	shalt  }
0x48: {  	_ =	shalt  }
0x49: {  	_ =	shalt  }
0x4a: {  	_ =	shalt  }
0x4b: {  	_ =	shalt  }
0x4c: {  	_ =	shalt  }
0x4d: {  	_ =	shalt  }
0x4e: {  	_ =	shalt  }
0x4f: {  	_ =	shalt  }
0x50: {  	_ =	shalt  }
0x51: {  	_ =	shalt  }
0x52: {  	_ =	shalt  }
0x53: {  	_ =	shalt  }
0x54: {  	_ =	shalt  }
0x55: {  	_ =	shalt  }
0x56: {  	_ =	shalt  }
0x57: {  	_ =	shalt  }
0x58: {  	_ =	shalt  }
0x59: {  	_ =	shalt  }
0x5a: {  	_ =	shalt  }
0x5b: {  	_ =	shalt  }
0x5c: {  	_ =	shalt  }
0x5d: {  	_ =	shalt  }
0x5e: {  	_ =	shalt  }
0x5f: {  	_ =	shalt  }
0x60: {  	_ =	shalt  }
0x61: {  	_ =	shalt  }
0x62: {  	_ =	shalt  }
0x63: {  	_ =	shalt  }
0x64: {  	_ =	shalt  }
0x65: {  	_ =	shalt  }
0x66: {  	_ =	shalt  }
0x67: {  	_ =	shalt  }
0x68: {  	_ =	shalt  }
0x69: {  	_ =	shalt  }
0x6a: {  	_ =	shalt  }
0x6b: {  	_ =	shalt  }
0x6c: {  	_ =	shalt  }
0x6d: {  	_ =	shalt  }
0x6e: {  	_ =	shalt  }
0x6f: {  	_ =	shalt  }
0x70: {  	_ =	shalt  }
0x71: {  	_ =	shalt  }
0x72: {  	_ =	shalt  }
0x73: {  	_ =	shalt  }
0x74: {  	_ =	shalt  }
0x75: {  	_ =	shalt  }
0x76: {  	_ =	shalt  }
0x77: {  	_ =	shalt  }
0x78: {  	_ =	shalt  }
0x79: {  	_ =	shalt  }
0x7a: {  	_ =	shalt  }
0x7b: {  	_ =	shalt  }
0x7c: {  	_ =	shalt  }
0x7d: {  	_ =	shalt  }
0x7e: {  	_ =	shalt  }
0x7f: {  	_ =	shalt  }
0x80: {  	_ =	shalt  }
0x81: {  	_ =	shalt  }
0x82: {  	_ =	shalt  }
0x83: {  	_ =	shalt  }
0x84: {  	_ =	shalt  }
0x85: {  	_ =	shalt  }
0x86: {  	_ =	shalt  }
0x87: {  	_ =	shalt  }
.Lfunc_end0:
.L_simem_size_0:
called_computation_lowered:
.L_overlay_start_0:
0x88: {  	s2 =	sld [smem:$0x3FD9]  }
0x89: {  	s3 =	sld [smem:$0x3FFE];
	_ =	sdelay $0x1  }
0x8a: {  	s1 =	srdreg.scid  }
0x8b: {  	s0 =	sand.u32 $0x1, s1  }
0x8c: {  	s18 =	sshll.u32 s0, $0xA;
	s2 =	sadd.s32 s3, s2  }
0x8d: {  	s2 =	sadd.s32 s2, s18  }
0x8e: {  	[smem:$0x3FC6] =	sst s2  }
0x8f: {  	_ = 	snop  }
0x90: {  	s2 =	sld [smem:$0x3FC9]  }
0x91: {  	s19 =	sld [smem:$0x3FC8]  }
0x92: {  	s4 =	sld [smem:$0x3FD0];
	(tm) =	ssettm $0x1  }
0x93: {  	s5 =	sld [smem:$0x3FFB];
	_ =	sdelay $0x3  }
0x94: {  	_ =	strace s5  }
0x95: {  	s5 =	sld [smem:$0x3FFC];
	_ =	sdelay $0x3  }
0x96: {  	_ =	strace s5  }
0x97: {  	s5 =	sld [smem:$0x3FFD];
	_ =	sdelay $0x3  }
0x98: {  	_ =	strace s5  }
0x99: {  	_ =	strace $0x8FFFFFFF  }
0x9a: {  	s20 =	sld [smem:$0x3FDB];
	_ =	sdelay $0x1  }
0x9b: {  	s6 =	simm.s32 $_scs_section_size  }
0x9c: {  	s7 =	simm.s32 $_size__tile_overlayer_lowered;
	s8 =	simm.s32 $_tile_overlayer_lowered  }
0x9d: {  	s23 =	simm.s32 $0x1BFF;
	s22 =	sshll.u32 s8, $0x1;
	s5 =	sadd.s32 s6, s20  }
0x9e: {  	s9 =	simm.s32 $0x0;
	s21 =	sshll.u32 s7, $0x1;
	s7 =	sadd.s32 s22, s5  }
0x9f: {  	[timem:s9], [sflag:s23] =	dma.local [hbm:s7], s21  }
0xa0: {  	_ =	swait.ge [sflag:s23], s21  }
0xa1: {  	s6 =	ssub.s32 $0x0, s21;
	[sflag:s23] =	ssyncset.done $0x0  }
0xa2: {  	[sflag:s23] =	ssyncadd.s32 s6;
	_ =	sdelay $0x1  }
0xa3: {  	s24 =	simm.s32 $0x1B8B  }
0xa4: {  	_ =	swait.ge [sflag:s24], $0x1  }
0xa5: {  	[sflag:s24] =	ssyncset.done $0x0  }
0xa6: {  	s25 =	simm.s32 $0x1B8E;
	[sflag:s24] =	ssyncadd.s32 $0xFFFFFFFF  }
0xa7: {  	s26 =	simm.s32 $execute0_lowered;
	[smem:$0x3FD2] =	sst s25  }
0xa8: {  	s6 =	sshll.u32 s26, $0x1;
	_ =	strace $0x80000046;
	[dreg:$0x1] =	wrdreg $0xFFFFFFFF  }
0xa9: {  	s28 =	simm.s32 $_size_execute0_lowered;
	s5 =	sadd.s32 s5, s6;
	[dreg:$0x0] =	wrdreg $0x0  }
0xaa: {  	s6 =	sshll.u32 s28, $0x1;
	[dreg:$0x2] =	wrdreg s5  }
0xab: {  	[dreg:$0x3] =	wrdreg s6  }
0xac: {  	[dreg:$0x4] =	wrdreg $0xC0  }
0xad: {  	_ =	task [dreg:s9], $0x5FFFF  }
0xae: {  	[dreg:$0x1] =	wrdreg $0xFFFFFFFF  }
0xaf: {  	[dreg:$0x0] =	wrdreg $0x60  }
0xb0: {  	[dreg:$0x2] =	wrdreg s2  }
0xb1: {  	[dreg:$0x3] =	wrdreg s19  }
0xb2: {  	[dreg:$0x4] =	wrdreg s4  }
0xb3: {  	[dreg:$0x5] =	wrdreg $0x9  }
0xb4: {  	_ =	task.clear_ibuf [dreg:s9], $0x6FFFF;
	_ =	strace $0x90000046  }
0xb5: {  	s29 =	simm.s32 $0x9;
	_ =	strace $0x80000048  }
0xb6: {  	_ =	swait.ge [sflag:s29], $0x1  }
0xb7: {  	[sflag:s29] =	ssyncadd.s32 $0xFFFFFFFF  }
0xb8: {  	_ =	strace $0x90000048  }
0xb9: {  	_ =	sfence  }
0xba: {  	s30 =	sld [smem:$0x0];
	_ =	sdelay $0x2  }
0xbb: {  	s31 =	sshll.u32 s1, $0xD;
	s1 =	sshrl.u32 s1, $0x2  }
0xbc: {  	s3 =	sand.u32 $0x4000, s31;
	s1 =	sadd.s32 s1, s30  }
0xbd: {  	s0 =	sor.u32 s3, s0;
	s1 =	sshll.u32 s1, $0x11  }
0xbe: {  	s0 =	sor.u32 s1, s0  }
0xbf: {  	s0 =	sadd.s32 $0x8F2B, s0  }
0xc0: {  	[sflag:s0] =	ssyncadd.remote.s32 $0x1  }
0xc1: {  	_ =	sfence.sel $0xFFFF  }
0xc2: {  	[dreg:$0x0] =	wrdreg $0xFFFFFFFF;
	(pc) =	sbr.abs _section_cstart, $3  }
0xc3: {  	[dreg:$0x1] =	wrdreg $0xFFFFFFFF  }
0xc4: {  	_ =	task.clear_ibuf [dreg:s9], $0x2FFFF;
	_ =	strace $0x9FFFFFFF  }
0xc5: {  	(tm) =	ssettm $0x7FFFFFFF  }
tec
execute0_lowered:
.L_overlay_start_1:
0x0: {  	(tag) =	ssettag $0x1  }
0x1: {  	s4 =	rddreg [dreg:$0x0]  }
0x2: {  	s1 =	srdreg.scid;
	s0 =	stileid.u32  }
0x3: {  	s2 =	rddreg [dreg:$0x1];
	s6 =	sand.u32 $0x1, s1;
	s3 =	sshll.u32 s0, $0x1  }
0x4: {  	s5 =	rddreg [dreg:$0x2];
	s7 =	sor.u32 s6, s3  }
0x5: {  	s3 =	simm.s32 $0x0;
	s6 =	ssub.s32 $0x2, s6;
	s8 =	smul.u32 $0x4E2, s7  }
0x6: {  	[smem:$0x7FF] =	sst s3;
	s9 =	sshrl.u32 s6, $0x1;
	s7 =	smul.u32 $0x500, s7  }
0x7: {  	s1 =	rddreg [dreg:$0x3];
	_ =	strace $0x80000047;
	s6 =	ssub.s32 s6, s9  }
0x8: {  	s9 =	simm.s32 $0x0;
	s4 =	sadd.s32 s4, s8;
	s5 =	sadd.s32 s5, s7  }
0x9: {  	v0 =	vimm.f32 $1.000000000e+00;
	s6 =	smax.u32 s6, $0x1;
	s7 =	simm.s32 $0x2780;
	s8 =	simm.s32 $0x1  }
.LBB2_1:
0xa: {  	[tilespmem:s7], [sflag:$0x1] =	stream.linear.gather [hbm4b:s2+s3], $0x2800, $0x38;
	[tilespmem:$0x4F80] =	vst v63  }
0xb: {  	_ =	swait.ge [sflag:s8], $0x2800  }
0xc: {  	[sflag:s8] =	ssyncset.done $0x0  }
0xd: {  	[sflag:s8] =	ssyncadd.s32 $0xFFFFD800  }
0xe: {  	[tilespmem:s3], [sflag:$0x1] =	stream.linear.gather [hbm4b:s4+s3], $0x2710, $0x38;
	[tilespmem:$0x4F80] =	vst v63  }
0xf: {  	_ =	swait.ge [sflag:s8], $0x2710  }
0x10: {  	[sflag:s8] =	ssyncset.done $0x0  }
0x11: {  	s11 =	simm.s32 $0x0;
	s10 =	simm.s32 $0x40;
	[sflag:s8] =	ssyncadd.s32 $0xFFFFD8F0  }
.LBB2_2:
0x12: {  	p0 =	sne.s32 s10, $0x9C00;
	v1 =	vld [tilespmem:s11+$0x0];
	_ =	sdelay $0x3  }
.Ltmp0:
0x13: {  	(pc) =	sbr.rel @p0 .LBB2_2-.Ltmp0, $2  }
0x14: {  	_ =	sdelay $0x2  }
0x15: {  	s11 =	sshra.s32 s10, $0x2;
	s10 =	sadd.s32 $0x40, s10;
	[tilespmem:v1+s7+$0x0] =	vst.idx.add.f32.msk $0xffff, v0  }
0x16: {  	v1 =	vld [tilespmem:s11+$0x0];
	_ =	sdelay $0x5  }
0x17: {  	s9 =	sadd.s32 $0x1, s9  }
0x18: {  	p0 =	sne.s32 s9, s6  }
.Ltmp1:
0x19: {  	[tilespmem:v1+s7+$0x0] =	vst.idx.add.f32.msk $0xffff, v0;
	(pc) =	sbr.rel @p0 .LBB2_1-.Ltmp1, $4  }
0x1a: {  	[hbm4b:s5+s3] =	stream.linear.scatter [tilespmem:s7], [sflag:$0x1], $0x2800, $0x38;
	[tilespmem:$0x4F80] =	vst v63  }
0x1b: {  	_ =	swait.ge [sflag:s8], $0x2800  }
0x1c: {  	[sflag:s8] =	ssyncset.done $0x0  }
0x1d: {  	[sflag:s8] =	ssyncadd.s32 $0xFFFFD800  }
0x1e: {  	_ =	sfence.sel $0x180000  }
0x1f: {  	[bflag:$0x0] =	sbarrier.arrive $0xFFFF  }
0x20: {  	p0 =	sne.s32 s0, $0x0;
	_ =	strace $0x90000047  }
0x21: {  	s0 =	sadd.s32 @!p0 $0x100000, s1;
	[bflag:$0x2] =	sbarrier.arrive $0xFFFF  }
0x22: {  	[sflag:s0] =	ssyncadd.tile.s32 @!p0 $0x1;
	_ =	shalt  }
.Lfunc_end2:
_tile_overlayer_lowered:
.L_overlay_start_2:
0x23: {  	(tag) =	ssettag $0x2  }
0x24: {  	s0 =	rddreg [dreg:$0x0];
	s2 =	stileid.u32  }
0x25: {  	s1 =	rddreg [dreg:$0x1];
	p0 =	sne.s32 s2, $0x0  }
0x26: {  	s3 =	rddreg [dreg:$0x2];
	[bflag:$0x3] =	sbarrier.arrive $0xFFFF;
	s2 =	simm.s32 @!p0 $0x1C01  }
0x27: {  	[timem:s3], [sflag:s2] =	dma.local @!p0 [hbm:s0], s1  }
0x28: {  	s0 =	simm.s32 @!p0 $0x1  }
0x29: {  	_ =	swait.ge @!p0 [sflag:s0], s1  }
0x2a: {  	s1 =	ssub.s32 @!p0 $0x0, s1;
	[sflag:s0] =	ssyncset.done @!p0 $0x0  }
0x2b: {  	[sflag:s0] =	ssyncadd.s32 @!p0 s1  }
0x2c: {  	[bflag:$0x3] =	sbarrier.arrive $0xFFFF  }
0x2d: {  	_ =	shalt  }

</sc_bundles>
